<compile_context>
chip_gen: v7x
topology: tpu7x:2x2x1
jax: 0.10.2.dev20260603
libtpu: 0.0.44.dev20260713+nightly
codegen_flags: <defaults>
</compile_context>

<pallas_src>
import functools

import numpy as np

import jax
import jax.numpy as jnp
from jax import lax
from jax.experimental import pallas as pl
from jax.experimental.pallas import tpu as pltpu
from jax.experimental.pallas import tpu_sc as plsc

_B = 16384
_H = 512
_W = _H // 4
_NW = 32
_RPW = _B // _NW
_NG = _RPW // 16


def _srl(x, n):
    return lax.shift_right_logical(x, jnp.int32(n))


def _pack_matrix():
    jj = np.arange(_H)
    ww = np.arange(_W)
    wgt = np.array([73.0, 72.0, 64.0, 512.0])[jj % 4]
    p = np.where(
        (jj[:, None] // 4) < ww[None, :],
        1024.0,
        np.where((jj[:, None] // 4) == ww[None, :], wgt[:, None], 0.0),
    )
    return jnp.asarray(p, dtype=jnp.bfloat16)


def _sc_positions(comb_flat, u):
    mesh = plsc.VectorSubcoreMesh(core_axis_name="c", subcore_axis_name="s")

    @functools.partial(
        pl.kernel,
        mesh=mesh,
        out_type=jax.ShapeDtypeStruct((_B,), jnp.int32),
        scratch_types=[
            pltpu.VMEM((_RPW * _W,), jnp.int32),
            pltpu.VMEM((_RPW,), jnp.float32),
            pltpu.VMEM((_RPW,), jnp.int32),
            pltpu.VMEM((_RPW,), jnp.int32),
            pltpu.VMEM((_RPW,), jnp.int32),
            pltpu.VMEM((_RPW,), jnp.int32),
            pltpu.SemaphoreType.DMA,
        ],
        compiler_params=pltpu.CompilerParams(needs_layout_passes=False),
    )
    def k(comb_hbm, u_hbm, out_hbm,
          comb_v, u_v, widx_v, r4_v, wv_v, out_v, sem):
        wid = lax.axis_index("s") * 2 + lax.axis_index("c")
        row0 = wid * _RPW
        pltpu.sync_copy(u_hbm.at[pl.ds(row0, _RPW)], u_v)
        pltpu.sync_copy(comb_hbm.at[pl.ds(row0 * _W, _RPW * _W)], comb_v)
        lanes = lax.iota(jnp.int32, 16)

        def search(g, carry):
            lb = (g * 16 + lanes) * _W
            last = plsc.load_gather(comb_v, [lb + (_W - 1)])
            total = _srl(last, 10) + (_srl(last, 6) & 7) + (_srl(last, 9) & 1)
            uvec = u_v[pl.ds(g * 16, 16)]
            idx = (uvec * total.astype(jnp.float32)).astype(jnp.int32)
            idx = jnp.minimum(idx, jnp.maximum(total - 1, 0))
            pos = jnp.zeros((16,), jnp.int32)
            best = jnp.zeros((16,), jnp.int32)
            for s in (64, 32, 16, 8, 4, 2, 1):
                t = pos + s
                val = _srl(plsc.load_gather(comb_v, [lb + t]), 10)
                take = val <= idx
                pos = jnp.where(take, t, pos)
                best = jnp.where(take, val, best)
            empty = total <= 0
            pos = jnp.where(empty, 0, pos)
            widx_v[pl.ds(g * 16, 16)] = (row0 + g * 16 + lanes) * _W + pos
            r4_v[pl.ds(g * 16, 16)] = jnp.where(empty, -1, idx - best)
            return carry

        lax.fori_loop(0, _NG, search, 0)
        pltpu.async_copy(comb_hbm.at[widx_v], wv_v, sem).wait()

        def resolve(g, carry):
            info = wv_v[pl.ds(g * 16, 16)] & 1023
            wq = widx_v[pl.ds(g * 16, 16)]
            r4 = r4_v[pl.ds(g * 16, 16)]
            s0 = info & 7
            s1 = _srl(info, 3) & 7
            s2 = _srl(info, 6) & 7
            tb = (
                (s0 <= r4).astype(jnp.int32)
                + (s1 <= r4).astype(jnp.int32)
                + (s2 <= r4).astype(jnp.int32)
            )
            out_v[pl.ds(g * 16, 16)] = (wq & (_W - 1)) * 4 + tb
            return carry

        lax.fori_loop(0, _NG, resolve, 0)
        pltpu.sync_copy(out_v, out_hbm.at[pl.ds(row0, _RPW)])

    return k(comb_flat, u)


def _pack_body(mask_ref, p_ref, comb_ref):
    m = mask_ref[...].astype(jnp.bfloat16)
    comb_ref[...] = jnp.dot(
        m, p_ref[...], preferred_element_type=jnp.float32
    ).astype(jnp.int32)


def _tc_pack(mask, p):
    blk = 4096
    return pl.pallas_call(
        _pack_body,
        grid=(_B // blk,),
        in_specs=[
            pl.BlockSpec((blk, _H), lambda i: (i, 0)),
            pl.BlockSpec((_H, _W), lambda i: (0, 0)),
        ],
        out_specs=pl.BlockSpec((blk, _W), lambda i: (i, 0)),
        out_shape=jax.ShapeDtypeStruct((_B, _W), jnp.int32),
    )(mask, p)


def _zeros_body(o_ref):
    o_ref[...] = jnp.zeros_like(o_ref)


def _tc_probs(B, H):
    blk = 4096
    return pl.pallas_call(
        _zeros_body,
        grid=(B // blk,),
        out_specs=pl.BlockSpec((blk, H), lambda i: (i, 0)),
        out_shape=jax.ShapeDtypeStruct((B, H), jnp.float32),
    )()


def kernel(context, forecast, forecast_mask):
    del context, forecast
    B, H = forecast_mask.shape
    u = jax.random.uniform(jax.random.key(42), (B,))
    comb = _tc_pack(forecast_mask.view(jnp.int8), _pack_matrix())
    positions = _sc_positions(comb.reshape(-1), u)
    probs = _tc_probs(B, H)
    return positions, probs

# --- scband reference (transcript-rebuilt; emitter-appended) ---
"""Pipeline reference for scband-backward-policy-30562987278885 (READ-ONLY COPY).

The authoritative reference and input builder live on the scoring server;
editing this copy changes nothing except your own understanding.
"""

import jax, jax.numpy as jnp
import numpy as np

B = 16384
CTX = 2048
H = 512

def setup_inputs(seed: int = 0) -> dict:
    key = jax.random.key(seed)
    k1, k2, k3 = jax.random.split(key, 3)
    context = jax.random.normal(k1, (B, CTX), dtype=jnp.float32)
    forecast = jax.random.normal(k2, (B, H), dtype=jnp.float32)
    forecast_mask = jax.random.randint(k3, (B, H), 0, 2).astype(bool)
    return {"context": context, "forecast": forecast, "forecast_mask": forecast_mask}

def reference(context, forecast, forecast_mask):
    batch_size = context.shape[0]
    prediction_horizon = forecast.shape[1]
    # valid_pos_count = forecast_mask.sum(dim=1).float()
    valid = forecast_mask.sum(axis=1)
    validf = valid.astype(jnp.float32)
    # probs = zeros; masked_fill_(~mask, 0.0) is a no-op on zeros; dividing zeros by count keeps zeros
    # (faithful to the original module, whose uniform-branch probs are identically zero)
    probs = jnp.zeros((batch_size, prediction_horizon), dtype=jnp.float32)
    safe = jnp.maximum(validf, 1.0)
    probs = jnp.where((valid > 0)[:, None], probs / safe[:, None], probs)
    # vectorized equivalent of the per-row torch.randint over valid indices
    key = jax.random.key(42)
    u = jax.random.uniform(key, (batch_size,))
    idx = jnp.floor(u * validf).astype(jnp.int32)
    idx = jnp.minimum(idx, jnp.maximum(valid - 1, 0).astype(jnp.int32))  # idx in [0, count)
    cum = jnp.cumsum(forecast_mask.astype(jnp.int32), axis=1)
    hit = (cum == (idx + 1)[:, None]) & forecast_mask
    positions = jnp.argmax(hit, axis=1)
    positions = jnp.where(valid > 0, positions, 0).astype(jnp.int32)
    # logits is None for the uniform policy; return the two tensor outputs
    return positions, probs

if __name__ == "__main__":
    import jax
    _d = setup_inputs()
    print(jax.jit(kernel)(*tuple(_d.values())))

</pallas_src>

<mosaic_0001>
#map = affine_map<(d0, d1) -> (0)>
module attributes {stable_mosaic.version = 14 : i64} {
  func.func @k(%arg0: i32, %arg1: i32, %arg2: memref<2097152xi32, #tpu.memory_space<hbm>>, %arg3: memref<16384xf32, #tpu.memory_space<hbm>>, %arg4: memref<16384xi32, #tpu.memory_space<hbm>>, %arg5: memref<65536xi32, #tpu.memory_space<vmem>>, %arg6: memref<512xf32, #tpu.memory_space<vmem>>, %arg7: memref<512xi32, #tpu.memory_space<vmem>>, %arg8: memref<512xi32, #tpu.memory_space<vmem>>, %arg9: memref<512xi32, #tpu.memory_space<vmem>>, %arg10: memref<512xi32, #tpu.memory_space<vmem>>, %arg11: memref<!tpu.dma_semaphore, #tpu.memory_space<semaphore_mem>>) attributes {dimension_semantics = [#tpu.dimension_semantics<core_parallel>, #tpu.dimension_semantics<subcore_parallel>], iteration_bounds = array<i64: 2, 16>, scalar_prefetch = 0 : i64, scratch_operands = 7 : i64, tpu.core_type = #tpu.core_type<sc_vector_subcore>, window_params = [{transform_indices = #map}, {transform_indices = #map}, {transform_indices = #map}]} {
    %mul3A = arith.constant 2 : i32
    %mul3A_0 = arith.muli %arg1, %mul3A : i32
    %add3A = arith.addi %mul3A_0, %arg0 : i32
    %mul3A_1 = arith.constant 512 : i32
    %mul3A_2 = arith.muli %add3A, %mul3A_1 : i32
    "tpu.region"() ({
      %run_scoped3A = tpu.sem_alloc : memref<!tpu.dma_semaphore, #tpu.memory_space<semaphore_mem>>
      %dma_start3A_18 = tpu.memref_slice %arg3[%mul3A_2] : memref<16384xf32, #tpu.memory_space<hbm>> -> memref<512xf32, #tpu.memory_space<hbm>>
      %dma_start3A_19 = tpu.memref_slice %arg3[%mul3A_2] : memref<16384xf32, #tpu.memory_space<hbm>> -> memref<512xf32, #tpu.memory_space<hbm>>
      tpu.enqueue_dma source(%dma_start3A_19 : memref<512xf32, #tpu.memory_space<hbm>>) target(%arg6 : memref<512xf32, #tpu.memory_space<vmem>>) target_semaphore(%run_scoped3A : memref<!tpu.dma_semaphore, #tpu.memory_space<semaphore_mem>>)
      %dma_wait3A_20 = tpu.memref_slice %arg3[%mul3A_2] : memref<16384xf32, #tpu.memory_space<hbm>> -> memref<512xf32, #tpu.memory_space<hbm>>
      %dma_wait3A_21 = tpu.memref_slice %arg3[%mul3A_2] : memref<16384xf32, #tpu.memory_space<hbm>> -> memref<512xf32, #tpu.memory_space<hbm>>
      tpu.wait_dma2 semaphore(%run_scoped3A : memref<!tpu.dma_semaphore, #tpu.memory_space<semaphore_mem>>) src(%dma_wait3A_21 : memref<512xf32, #tpu.memory_space<hbm>>) dst(%arg6 : memref<512xf32, #tpu.memory_space<vmem>>)
      tpu.yield
    }) : () -> ()
    %mul3A_3 = arith.constant 128 : i32
    %mul3A_4 = arith.muli %mul3A_2, %mul3A_3 : i32
    "tpu.region"() ({
      %run_scoped3A = tpu.sem_alloc : memref<!tpu.dma_semaphore, #tpu.memory_space<semaphore_mem>>
      %dma_start3A_18 = tpu.memref_slice %arg2[%mul3A_4] : memref<2097152xi32, #tpu.memory_space<hbm>> -> memref<65536xi32, #tpu.memory_space<hbm>>
      %dma_start3A_19 = tpu.memref_slice %arg2[%mul3A_4] : memref<2097152xi32, #tpu.memory_space<hbm>> -> memref<65536xi32, #tpu.memory_space<hbm>>
      tpu.enqueue_dma source(%dma_start3A_19 : memref<65536xi32, #tpu.memory_space<hbm>>) target(%arg5 : memref<65536xi32, #tpu.memory_space<vmem>>) target_semaphore(%run_scoped3A : memref<!tpu.dma_semaphore, #tpu.memory_space<semaphore_mem>>)
      %dma_wait3A_20 = tpu.memref_slice %arg2[%mul3A_4] : memref<2097152xi32, #tpu.memory_space<hbm>> -> memref<65536xi32, #tpu.memory_space<hbm>>
      %dma_wait3A_21 = tpu.memref_slice %arg2[%mul3A_4] : memref<2097152xi32, #tpu.memory_space<hbm>> -> memref<65536xi32, #tpu.memory_space<hbm>>
      tpu.wait_dma2 semaphore(%run_scoped3A : memref<!tpu.dma_semaphore, #tpu.memory_space<semaphore_mem>>) src(%dma_wait3A_21 : memref<65536xi32, #tpu.memory_space<hbm>>) dst(%arg5 : memref<65536xi32, #tpu.memory_space<vmem>>)
      tpu.yield
    }) : () -> ()
    %iota3A = tpu.iota {dimensions = array<i32: 0>} : vector<16xi32>
    %scan3A = arith.constant 0 : i32
    %scan3A_5 = arith.constant 0 : i32
    %scan3A_6 = arith.constant 32 : i32
    %scan3A_7 = arith.addi %scan3A_5, %scan3A_6 : i32
    %scan3A_8 = arith.constant 1 : i32
    scf.for %scan3A_18 = %scan3A_5 to %scan3A_7 step %scan3A_8  : i32 {
      %mul3A_19 = arith.constant 16 : i32
      %mul3A_20 = arith.muli %scan3A_18, %mul3A_19 : i32
      %add3A_21 = vector.broadcast %mul3A_20 : i32 to vector<16xi32>
      %add3A_22 = arith.addi %add3A_21, %iota3A : vector<16xi32>
      %mul3A_23 = arith.constant 128 : i32
      %mul3A_24 = vector.broadcast %mul3A_23 : i32 to vector<16xi32>
      %mul3A_25 = arith.muli %add3A_22, %mul3A_24 : vector<16xi32>
      %add3A_26 = arith.constant 127 : i32
      %add3A_27 = vector.broadcast %add3A_26 : i32 to vector<16xi32>
      %add3A_28 = arith.addi %mul3A_25, %add3A_27 : vector<16xi32>
      %gather3A = tpu.vector_load_idx %arg5[%add3A_28] : memref<65536xi32, #tpu.memory_space<vmem>>[vector<16xi32>], vector<16xi32>,
      %shift_right_logical3A = arith.constant 10 : i32
      %shift_right_logical3A_29 = vector.broadcast %shift_right_logical3A : i32 to vector<16xi32>
      %shift_right_logical3A_30 = arith.shrui %gather3A, %shift_right_logical3A_29 : vector<16xi32>
      %shift_right_logical3A_31 = arith.constant 6 : i32
      %shift_right_logical3A_32 = vector.broadcast %shift_right_logical3A_31 : i32 to vector<16xi32>
      %shift_right_logical3A_33 = arith.shrui %gather3A, %shift_right_logical3A_32 : vector<16xi32>
      %and3A = arith.constant 7 : i32
      %and3A_34 = vector.broadcast %and3A : i32 to vector<16xi32>
      %and3A_35 = arith.andi %shift_right_logical3A_33, %and3A_34 : vector<16xi32>
      %add3A_36 = arith.addi %shift_right_logical3A_30, %and3A_35 : vector<16xi32>
      %shift_right_logical3A_37 = arith.constant 9 : i32
      %shift_right_logical3A_38 = vector.broadcast %shift_right_logical3A_37 : i32 to vector<16xi32>
      %shift_right_logical3A_39 = arith.shrui %gather3A, %shift_right_logical3A_38 : vector<16xi32>
      %and3A_40 = arith.constant 1 : i32
      %and3A_41 = vector.broadcast %and3A_40 : i32 to vector<16xi32>
      %and3A_42 = arith.andi %shift_right_logical3A_39, %and3A_41 : vector<16xi32>
      %add3A_43 = arith.addi %add3A_36, %and3A_42 : vector<16xi32>
      %mul3A_44 = arith.constant 16 : i32
      %mul3A_45 = arith.muli %scan3A_18, %mul3A_44 : i32
      %get3A = arith.index_cast %mul3A_45 : i32 to index
      %get3A_46 = tpu.vector_load %arg6[%get3A] {strides = array<i32>} : memref<512xf32, #tpu.memory_space<vmem>>, vector<16xf32>,
      %convert_element_type3A = arith.sitofp %add3A_43 : vector<16xi32> to vector<16xf32>
      %mul3A_47 = arith.mulf %get3A_46, %convert_element_type3A : vector<16xf32>
      %convert_element_type3A_48 = arith.fptosi %mul3A_47 : vector<16xf32> to vector<16xi32>
      %sub3A = arith.constant 1 : i32
      %sub3A_49 = vector.broadcast %sub3A : i32 to vector<16xi32>
      %sub3A_50 = arith.subi %add3A_43, %sub3A_49 : vector<16xi32>
      %max3A = arith.constant 0 : i32
      %max3A_51 = vector.broadcast %max3A : i32 to vector<16xi32>
      %max3A_52 = arith.maxsi %sub3A_50, %max3A_51 : vector<16xi32>
      %min3A = arith.minsi %convert_element_type3A_48, %max3A_52 : vector<16xi32>
      %broadcast_in_dim3A = arith.constant 0 : i32
      %broadcast_in_dim3A_53 = vector.broadcast %broadcast_in_dim3A : i32 to vector<16xi32>
      %broadcast_in_dim3A_54 = arith.constant 0 : i32
      %broadcast_in_dim3A_55 = vector.broadcast %broadcast_in_dim3A_54 : i32 to vector<16xi32>
      %add3A_56 = arith.constant 64 : i32
      %add3A_57 = vector.broadcast %add3A_56 : i32 to vector<16xi32>
      %add3A_58 = arith.addi %broadcast_in_dim3A_53, %add3A_57 : vector<16xi32>
      %add3A_59 = arith.addi %mul3A_25, %add3A_58 : vector<16xi32>
      %gather3A_60 = tpu.vector_load_idx %arg5[%add3A_59] : memref<65536xi32, #tpu.memory_space<vmem>>[vector<16xi32>], vector<16xi32>,
      %shift_right_logical3A_61 = arith.constant 10 : i32
      %shift_right_logical3A_62 = vector.broadcast %shift_right_logical3A_61 : i32 to vector<16xi32>
      %shift_right_logical3A_63 = arith.shrui %gather3A_60, %shift_right_logical3A_62 : vector<16xi32>
      %le3A = arith.cmpi sle, %shift_right_logical3A_63, %min3A : vector<16xi32>
      %select_n3A = arith.select %le3A, %add3A_58, %broadcast_in_dim3A_53 : vector<16xi1>, vector<16xi32>
      %select_n3A_64 = arith.select %le3A, %shift_right_logical3A_63, %broadcast_in_dim3A_55 : vector<16xi1>, vector<16xi32>
      %add3A_65 = arith.constant 32 : i32
      %add3A_66 = vector.broadcast %add3A_65 : i32 to vector<16xi32>
      %add3A_67 = arith.addi %select_n3A, %add3A_66 : vector<16xi32>
      %add3A_68 = arith.addi %mul3A_25, %add3A_67 : vector<16xi32>
      %gather3A_69 = tpu.vector_load_idx %arg5[%add3A_68] : memref<65536xi32, #tpu.memory_space<vmem>>[vector<16xi32>], vector<16xi32>,
      %shift_right_logical3A_70 = arith.constant 10 : i32
      %shift_right_logical3A_71 = vector.broadcast %shift_right_logical3A_70 : i32 to vector<16xi32>
      %shift_right_logical3A_72 = arith.shrui %gather3A_69, %shift_right_logical3A_71 : vector<16xi32>
      %le3A_73 = arith.cmpi sle, %shift_right_logical3A_72, %min3A : vector<16xi32>
      %select_n3A_74 = arith.select %le3A_73, %add3A_67, %select_n3A : vector<16xi1>, vector<16xi32>
      %select_n3A_75 = arith.select %le3A_73, %shift_right_logical3A_72, %select_n3A_64 : vector<16xi1>, vector<16xi32>
      %add3A_76 = arith.constant 16 : i32
      %add3A_77 = vector.broadcast %add3A_76 : i32 to vector<16xi32>
      %add3A_78 = arith.addi %select_n3A_74, %add3A_77 : vector<16xi32>
      %add3A_79 = arith.addi %mul3A_25, %add3A_78 : vector<16xi32>
      %gather3A_80 = tpu.vector_load_idx %arg5[%add3A_79] : memref<65536xi32, #tpu.memory_space<vmem>>[vector<16xi32>], vector<16xi32>,
      %shift_right_logical3A_81 = arith.constant 10 : i32
      %shift_right_logical3A_82 = vector.broadcast %shift_right_logical3A_81 : i32 to vector<16xi32>
      %shift_right_logical3A_83 = arith.shrui %gather3A_80, %shift_right_logical3A_82 : vector<16xi32>
      %le3A_84 = arith.cmpi sle, %shift_right_logical3A_83, %min3A : vector<16xi32>
      %select_n3A_85 = arith.select %le3A_84, %add3A_78, %select_n3A_74 : vector<16xi1>, vector<16xi32>
      %select_n3A_86 = arith.select %le3A_84, %shift_right_logical3A_83, %select_n3A_75 : vector<16xi1>, vector<16xi32>
      %add3A_87 = arith.constant 8 : i32
      %add3A_88 = vector.broadcast %add3A_87 : i32 to vector<16xi32>
      %add3A_89 = arith.addi %select_n3A_85, %add3A_88 : vector<16xi32>
      %add3A_90 = arith.addi %mul3A_25, %add3A_89 : vector<16xi32>
      %gather3A_91 = tpu.vector_load_idx %arg5[%add3A_90] : memref<65536xi32, #tpu.memory_space<vmem>>[vector<16xi32>], vector<16xi32>,
      %shift_right_logical3A_92 = arith.constant 10 : i32
      %shift_right_logical3A_93 = vector.broadcast %shift_right_logical3A_92 : i32 to vector<16xi32>
      %shift_right_logical3A_94 = arith.shrui %gather3A_91, %shift_right_logical3A_93 : vector<16xi32>
      %le3A_95 = arith.cmpi sle, %shift_right_logical3A_94, %min3A : vector<16xi32>
      %select_n3A_96 = arith.select %le3A_95, %add3A_89, %select_n3A_85 : vector<16xi1>, vector<16xi32>
      %select_n3A_97 = arith.select %le3A_95, %shift_right_logical3A_94, %select_n3A_86 : vector<16xi1>, vector<16xi32>
      %add3A_98 = arith.constant 4 : i32
      %add3A_99 = vector.broadcast %add3A_98 : i32 to vector<16xi32>
      %add3A_100 = arith.addi %select_n3A_96, %add3A_99 : vector<16xi32>
      %add3A_101 = arith.addi %mul3A_25, %add3A_100 : vector<16xi32>
      %gather3A_102 = tpu.vector_load_idx %arg5[%add3A_101] : memref<65536xi32, #tpu.memory_space<vmem>>[vector<16xi32>], vector<16xi32>,
      %shift_right_logical3A_103 = arith.constant 10 : i32
      %shift_right_logical3A_104 = vector.broadcast %shift_right_logical3A_103 : i32 to vector<16xi32>
      %shift_right_logical3A_105 = arith.shrui %gather3A_102, %shift_right_logical3A_104 : vector<16xi32>
      %le3A_106 = arith.cmpi sle, %shift_right_logical3A_105, %min3A : vector<16xi32>
      %select_n3A_107 = arith.select %le3A_106, %add3A_100, %select_n3A_96 : vector<16xi1>, vector<16xi32>
      %select_n3A_108 = arith.select %le3A_106, %shift_right_logical3A_105, %select_n3A_97 : vector<16xi1>, vector<16xi32>
      %add3A_109 = arith.constant 2 : i32
      %add3A_110 = vector.broadcast %add3A_109 : i32 to vector<16xi32>
      %add3A_111 = arith.addi %select_n3A_107, %add3A_110 : vector<16xi32>
      %add3A_112 = arith.addi %mul3A_25, %add3A_111 : vector<16xi32>
      %gather3A_113 = tpu.vector_load_idx %arg5[%add3A_112] : memref<65536xi32, #tpu.memory_space<vmem>>[vector<16xi32>], vector<16xi32>,
      %shift_right_logical3A_114 = arith.constant 10 : i32
      %shift_right_logical3A_115 = vector.broadcast %shift_right_logical3A_114 : i32 to vector<16xi32>
      %shift_right_logical3A_116 = arith.shrui %gather3A_113, %shift_right_logical3A_115 : vector<16xi32>
      %le3A_117 = arith.cmpi sle, %shift_right_logical3A_116, %min3A : vector<16xi32>
      %select_n3A_118 = arith.select %le3A_117, %add3A_111, %select_n3A_107 : vector<16xi1>, vector<16xi32>
      %select_n3A_119 = arith.select %le3A_117, %shift_right_logical3A_116, %select_n3A_108 : vector<16xi1>, vector<16xi32>
      %add3A_120 = arith.constant 1 : i32
      %add3A_121 = vector.broadcast %add3A_120 : i32 to vector<16xi32>
      %add3A_122 = arith.addi %select_n3A_118, %add3A_121 : vector<16xi32>
      %add3A_123 = arith.addi %mul3A_25, %add3A_122 : vector<16xi32>
      %gather3A_124 = tpu.vector_load_idx %arg5[%add3A_123] : memref<65536xi32, #tpu.memory_space<vmem>>[vector<16xi32>], vector<16xi32>,
      %shift_right_logical3A_125 = arith.constant 10 : i32
      %shift_right_logical3A_126 = vector.broadcast %shift_right_logical3A_125 : i32 to vector<16xi32>
      %shift_right_logical3A_127 = arith.shrui %gather3A_124, %shift_right_logical3A_126 : vector<16xi32>
      %le3A_128 = arith.cmpi sle, %shift_right_logical3A_127, %min3A : vector<16xi32>
      %select_n3A_129 = arith.select %le3A_128, %add3A_122, %select_n3A_118 : vector<16xi1>, vector<16xi32>
      %select_n3A_130 = arith.select %le3A_128, %shift_right_logical3A_127, %select_n3A_119 : vector<16xi1>, vector<16xi32>
      %le3A_131 = arith.constant 0 : i32
      %le3A_132 = vector.broadcast %le3A_131 : i32 to vector<16xi32>
      %le3A_133 = arith.cmpi sle, %add3A_43, %le3A_132 : vector<16xi32>
      %jit3A = arith.constant 0 : i32
      %broadcast_in_dim3A_134 = vector.broadcast %jit3A : i32 to vector<16xi32>
      %select_n3A_135 = arith.select %le3A_133, %broadcast_in_dim3A_134, %select_n3A_129 : vector<16xi1>, vector<16xi32>
      %mul3A_136 = arith.constant 16 : i32
      %mul3A_137 = arith.muli %scan3A_18, %mul3A_136 : i32
      %add3A_138 = arith.addi %mul3A_2, %mul3A_137 : i32
      %add3A_139 = vector.broadcast %add3A_138 : i32 to vector<16xi32>
      %add3A_140 = arith.addi %add3A_139, %iota3A : vector<16xi32>
      %mul3A_141 = arith.constant 128 : i32
      %mul3A_142 = vector.broadcast %mul3A_141 : i32 to vector<16xi32>
      %mul3A_143 = arith.muli %add3A_140, %mul3A_142 : vector<16xi32>
      %add3A_144 = arith.addi %mul3A_143, %select_n3A_135 : vector<16xi32>
      %mul3A_145 = arith.constant 16 : i32
      %mul3A_146 = arith.muli %scan3A_18, %mul3A_145 : i32
      %swap3A = arith.index_cast %mul3A_146 : i32 to index
      %swap3A_147 = tpu.vector_load %arg7[%swap3A] {strides = array<i32>} : memref<512xi32, #tpu.memory_space<vmem>>, vector<16xi32>,
      tpu.vector_store %arg7[%swap3A], %add3A_144 {strides = array<i32>} : memref<512xi32, #tpu.memory_space<vmem>>, vector<16xi32>,
      %sub3A_148 = arith.subi %min3A, %select_n3A_130 : vector<16xi32>
      %jit3A_149 = arith.constant -1 : i32
      %broadcast_in_dim3A_150 = vector.broadcast %jit3A_149 : i32 to vector<16xi32>
      %select_n3A_151 = arith.select %le3A_133, %broadcast_in_dim3A_150, %sub3A_148 : vector<16xi1>, vector<16xi32>
      %mul3A_152 = arith.constant 16 : i32
      %mul3A_153 = arith.muli %scan3A_18, %mul3A_152 : i32
      %swap3A_154 = arith.index_cast %mul3A_153 : i32 to index
      %swap3A_155 = tpu.vector_load %arg8[%swap3A_154] {strides = array<i32>} : memref<512xi32, #tpu.memory_space<vmem>>, vector<16xi32>,
      tpu.vector_store %arg8[%swap3A_154], %select_n3A_151 {strides = array<i32>} : memref<512xi32, #tpu.memory_space<vmem>>, vector<16xi32>,
    }
    %scan3A_9 = arith.constant 32 : i32
    %dma_start3A = arith.constant 0 : i32
    %dma_start3A_10 = tpu.memref_slice %arg2[%dma_start3A] : memref<2097152xi32, #tpu.memory_space<hbm>> -> memref<2097152xi32, #tpu.memory_space<hbm>>
    tpu.enqueue_indirect_dma source(%dma_start3A_10 : memref<2097152xi32, #tpu.memory_space<hbm>>) target(%arg9 : memref<512xi32, #tpu.memory_space<vmem>>) offsets(%arg7 : memref<512xi32, #tpu.memory_space<vmem>>) semaphore(%arg11 : memref<!tpu.dma_semaphore, #tpu.memory_space<semaphore_mem>>)
    %dma_wait3A = arith.constant 0 : i32
    %dma_wait3A_11 = tpu.memref_slice %arg2[%dma_wait3A] : memref<2097152xi32, #tpu.memory_space<hbm>> -> memref<2097152xi32, #tpu.memory_space<hbm>>
    tpu.wait_indirect_dma semaphore(%arg11 : memref<!tpu.dma_semaphore, #tpu.memory_space<semaphore_mem>>) src(%dma_wait3A_11 : memref<2097152xi32, #tpu.memory_space<hbm>>) dst(%arg9 : memref<512xi32, #tpu.memory_space<vmem>>)
    %scan3A_12 = arith.constant 0 : i32
    %scan3A_13 = arith.constant 0 : i32
    %scan3A_14 = arith.constant 32 : i32
    %scan3A_15 = arith.addi %scan3A_13, %scan3A_14 : i32
    %scan3A_16 = arith.constant 1 : i32
    scf.for %scan3A_18 = %scan3A_13 to %scan3A_15 step %scan3A_16  : i32 {
      %mul3A_19 = arith.constant 16 : i32
      %mul3A_20 = arith.muli %scan3A_18, %mul3A_19 : i32
      %get3A = arith.index_cast %mul3A_20 : i32 to index
      %get3A_21 = tpu.vector_load %arg9[%get3A] {strides = array<i32>} : memref<512xi32, #tpu.memory_space<vmem>>, vector<16xi32>,
      %and3A = arith.constant 1023 : i32
      %and3A_22 = vector.broadcast %and3A : i32 to vector<16xi32>
      %and3A_23 = arith.andi %get3A_21, %and3A_22 : vector<16xi32>
      %mul3A_24 = arith.constant 16 : i32
      %mul3A_25 = arith.muli %scan3A_18, %mul3A_24 : i32
      %get3A_26 = arith.index_cast %mul3A_25 : i32 to index
      %get3A_27 = tpu.vector_load %arg7[%get3A_26] {strides = array<i32>} : memref<512xi32, #tpu.memory_space<vmem>>, vector<16xi32>,
      %mul3A_28 = arith.constant 16 : i32
      %mul3A_29 = arith.muli %scan3A_18, %mul3A_28 : i32
      %get3A_30 = arith.index_cast %mul3A_29 : i32 to index
      %get3A_31 = tpu.vector_load %arg8[%get3A_30] {strides = array<i32>} : memref<512xi32, #tpu.memory_space<vmem>>, vector<16xi32>,
      %and3A_32 = arith.constant 7 : i32
      %and3A_33 = vector.broadcast %and3A_32 : i32 to vector<16xi32>
      %and3A_34 = arith.andi %and3A_23, %and3A_33 : vector<16xi32>
      %shift_right_logical3A = arith.constant 3 : i32
      %shift_right_logical3A_35 = vector.broadcast %shift_right_logical3A : i32 to vector<16xi32>
      %shift_right_logical3A_36 = arith.shrui %and3A_23, %shift_right_logical3A_35 : vector<16xi32>
      %and3A_37 = arith.constant 7 : i32
      %and3A_38 = vector.broadcast %and3A_37 : i32 to vector<16xi32>
      %and3A_39 = arith.andi %shift_right_logical3A_36, %and3A_38 : vector<16xi32>
      %shift_right_logical3A_40 = arith.constant 6 : i32
      %shift_right_logical3A_41 = vector.broadcast %shift_right_logical3A_40 : i32 to vector<16xi32>
      %shift_right_logical3A_42 = arith.shrui %and3A_23, %shift_right_logical3A_41 : vector<16xi32>
      %and3A_43 = arith.constant 7 : i32
      %and3A_44 = vector.broadcast %and3A_43 : i32 to vector<16xi32>
      %and3A_45 = arith.andi %shift_right_logical3A_42, %and3A_44 : vector<16xi32>
      %le3A = arith.cmpi sle, %and3A_34, %get3A_31 : vector<16xi32>
      %convert_element_type3A = arith.extui %le3A : vector<16xi1> to vector<16xi32>
      %le3A_46 = arith.cmpi sle, %and3A_39, %get3A_31 : vector<16xi32>
      %convert_element_type3A_47 = arith.extui %le3A_46 : vector<16xi1> to vector<16xi32>
      %add3A_48 = arith.addi %convert_element_type3A, %convert_element_type3A_47 : vector<16xi32>
      %le3A_49 = arith.cmpi sle, %and3A_45, %get3A_31 : vector<16xi32>
      %convert_element_type3A_50 = arith.extui %le3A_49 : vector<16xi1> to vector<16xi32>
      %add3A_51 = arith.addi %add3A_48, %convert_element_type3A_50 : vector<16xi32>
      %and3A_52 = arith.constant 127 : i32
      %and3A_53 = vector.broadcast %and3A_52 : i32 to vector<16xi32>
      %and3A_54 = arith.andi %get3A_27, %and3A_53 : vector<16xi32>
      %mul3A_55 = arith.constant 4 : i32
      %mul3A_56 = vector.broadcast %mul3A_55 : i32 to vector<16xi32>
      %mul3A_57 = arith.muli %and3A_54, %mul3A_56 : vector<16xi32>
      %add3A_58 = arith.addi %mul3A_57, %add3A_51 : vector<16xi32>
      %mul3A_59 = arith.constant 16 : i32
      %mul3A_60 = arith.muli %scan3A_18, %mul3A_59 : i32
      %swap3A = arith.index_cast %mul3A_60 : i32 to index
      %swap3A_61 = tpu.vector_load %arg10[%swap3A] {strides = array<i32>} : memref<512xi32, #tpu.memory_space<vmem>>, vector<16xi32>,
      tpu.vector_store %arg10[%swap3A], %add3A_58 {strides = array<i32>} : memref<512xi32, #tpu.memory_space<vmem>>, vector<16xi32>,
    }
    %scan3A_17 = arith.constant 32 : i32
    "tpu.region"() ({
      %run_scoped3A = tpu.sem_alloc : memref<!tpu.dma_semaphore, #tpu.memory_space<semaphore_mem>>
      %dma_start3A_18 = tpu.memref_slice %arg4[%mul3A_2] : memref<16384xi32, #tpu.memory_space<hbm>> -> memref<512xi32, #tpu.memory_space<hbm>>
      %dma_start3A_19 = tpu.memref_slice %arg4[%mul3A_2] : memref<16384xi32, #tpu.memory_space<hbm>> -> memref<512xi32, #tpu.memory_space<hbm>>
      tpu.enqueue_dma source(%arg10 : memref<512xi32, #tpu.memory_space<vmem>>) target(%dma_start3A_19 : memref<512xi32, #tpu.memory_space<hbm>>) target_semaphore(%run_scoped3A : memref<!tpu.dma_semaphore, #tpu.memory_space<semaphore_mem>>)
      %dma_wait3A_20 = tpu.memref_slice %arg4[%mul3A_2] : memref<16384xi32, #tpu.memory_space<hbm>> -> memref<512xi32, #tpu.memory_space<hbm>>
      %dma_wait3A_21 = tpu.memref_slice %arg4[%mul3A_2] : memref<16384xi32, #tpu.memory_space<hbm>> -> memref<512xi32, #tpu.memory_space<hbm>>
      tpu.wait_dma2 semaphore(%run_scoped3A : memref<!tpu.dma_semaphore, #tpu.memory_space<semaphore_mem>>) src(%arg10 : memref<512xi32, #tpu.memory_space<vmem>>) dst(%dma_wait3A_21 : memref<512xi32, #tpu.memory_space<hbm>>)
      tpu.yield
    }) : () -> ()
    return
  }
}

module attributes {stable_mosaic.version = 14 : i64} {
  func.func @_pack_body(%arg0: i32, %arg1: memref<4096x512xi8, #tpu.memory_space<vmem>>, %arg2: memref<512x128xbf16, #tpu.memory_space<vmem>>, %arg3: memref<4096x128xi32, #tpu.memory_space<vmem>>) attributes {dimension_semantics = [#tpu.dimension_semantics<arbitrary>], iteration_bounds = array<i64: 4>, scalar_prefetch = 0 : i64, scratch_operands = 0 : i64, tpu.core_type = #tpu.core_type<tc>, window_params = [{transform_indices = @transform_0, window_bounds = array<i64: 4096, 512>}, {pipeline_mode = #tpu.pipeline_mode<synchronous>, transform_indices = @transform_1, window_bounds = array<i64: 512, 128>}, {transform_indices = @transform_2, window_bounds = array<i64: 4096, 128>}]} {
    %get3A = arith.constant 0 : index
    %get3A_0 = arith.constant 0 : index
    %get3A_1 = vector.load %arg1[%get3A, %get3A_0] : memref<4096x512xi8, #tpu.memory_space<vmem>>, vector<4096x512xi8>
    %convert_element_type3A = arith.sitofp %get3A_1 : vector<4096x512xi8> to vector<4096x512xbf16>
    %get3A_2 = arith.constant 0 : index
    %get3A_3 = arith.constant 0 : index
    %get3A_4 = vector.load %arg2[%get3A_2, %get3A_3] : memref<512x128xbf16, #tpu.memory_space<vmem>>, vector<512x128xbf16>
    %dot_general3A = arith.constant dense<0.000000e+00> : vector<4096x128xf32>
    %dot_general3A_5 = tpu.matmul %convert_element_type3A, %get3A_4, %dot_general3A {dimension_numbers = #tpu.dot_dimension_numbers<[1], [0], [0], [1], [0, 0, 1, 1], [], []>, transpose_lhs_hint = false} : vector<4096x512xbf16>, vector<512x128xbf16>, vector<4096x128xf32> -> vector<4096x128xf32>
    %convert_element_type3A_6 = arith.fptosi %dot_general3A_5 : vector<4096x128xf32> to vector<4096x128xi32>
    %swap3A = arith.constant 0 : index
    %swap3A_7 = arith.constant 0 : index
    %swap3A_8 = vector.load %arg3[%swap3A, %swap3A_7] : memref<4096x128xi32, #tpu.memory_space<vmem>>, vector<4096x128xi32>
    tpu.vector_store %arg3[%swap3A, %swap3A_7], %convert_element_type3A_6 {strides = array<i32>} : memref<4096x128xi32, #tpu.memory_space<vmem>>, vector<4096x128xi32>,
    return
  }
  func.func @transform_0(%arg0: i32) -> (i32, i32) {
    %c0_i32 = arith.constant 0 : i32
    %c0_i32_0 = arith.constant 0 : i32
    return %arg0, %c0_i32 : i32, i32
  }
  func.func @transform_1(%arg0: i32) -> (i32, i32) {
    %c0_i32 = arith.constant 0 : i32
    %c0_i32_0 = arith.constant 0 : i32
    %c0_i32_1 = arith.constant 0 : i32
    return %c0_i32, %c0_i32_0 : i32, i32
  }
  func.func @transform_2(%arg0: i32) -> (i32, i32) {
    %c0_i32 = arith.constant 0 : i32
    %c0_i32_0 = arith.constant 0 : i32
    return %arg0, %c0_i32 : i32, i32
  }
}

module attributes {stable_mosaic.version = 14 : i64} {
  func.func @_zeros_body(%arg0: i32, %arg1: memref<4096x512xf32, #tpu.memory_space<vmem>>) attributes {dimension_semantics = [#tpu.dimension_semantics<arbitrary>], iteration_bounds = array<i64: 4>, scalar_prefetch = 0 : i64, scratch_operands = 0 : i64, tpu.core_type = #tpu.core_type<tc>, window_params = [{transform_indices = @transform_0, window_bounds = array<i64: 4096, 512>}]} {
    %broadcast_in_dim3A = arith.constant 0.000000e+00 : f32
    %broadcast_in_dim3A_0 = vector.broadcast %broadcast_in_dim3A : f32 to vector<4096x512xf32>
    %swap3A = arith.constant 0 : index
    %swap3A_1 = arith.constant 0 : index
    %swap3A_2 = vector.load %arg1[%swap3A, %swap3A_1] : memref<4096x512xf32, #tpu.memory_space<vmem>>, vector<4096x512xf32>
    tpu.vector_store %arg1[%swap3A, %swap3A_1], %broadcast_in_dim3A_0 {strides = array<i32>} : memref<4096x512xf32, #tpu.memory_space<vmem>>, vector<4096x512xf32>,
    return
  }
  func.func @transform_0(%arg0: i32) -> (i32, i32) {
    %c0_i32 = arith.constant 0 : i32
    %c0_i32_0 = arith.constant 0 : i32
    return %arg0, %c0_i32 : i32, i32
  }
}

</mosaic_0001>

<sc_bundles>
// kernel: kernel.5.cloned.1.call-start
scs
__scs_entry_jumppad:
0x0: {  	(pc) =	sbr.rel $0x88, $3  }
0x1: {  	(tag) =	ssettag $0x0;
	lr =	simm.s32 $0x1  }
0x2: {  	[smem:$0x3FA0] =	sst lr;
	_ =	strace $0xD0000000  }
0x3: {  	_ = 	snop  }
0x4: {  	_ = 	snop  }
0x5: {  	_ = 	snop  }
0x6: {  	_ = 	snop  }
0x7: {  	_ = 	snop  }
__scs_overlays_trampoline_lowered:
0x8: {  	[smem:$0x3FAF] =	sst s0  }
0x9: {  	[smem:$0x3FB0] =	sst s1  }
0xa: {  	[smem:$0x3FB1] =	sst s2  }
0xb: {  	[smem:$0x3FB2] =	sst s3  }
0xc: {  	[smem:$0x3FB3] =	sst s4  }
0xd: {  	[smem:$0x3FB4] =	sst s5  }
0xe: {  	[smem:$0x3FB5] =	sst s6  }
0xf: {  	[smem:$0x3FB6] =	sst s7  }
0x10: {  	[smem:$0x3FB7] =	sst s8  }
0x11: {  	[smem:$0x3FB8] =	sst s9;
	s0 =	simm.s32 @!p0 $0x0  }
0x12: {  	s1 =	sld [smem:$0x3F9E];
	s0 =	simm.s32 @p0 $0x1  }
0x13: {  	[smem:$0x3FB9] =	sst s0;
	s0 =	simm.s32 @!p1 $0x0  }
0x14: {  	s2 =	sld [smem:$0x3F9D];
	s0 =	simm.s32 @p1 $0x1  }
0x15: {  	[smem:$0x3FBA] =	sst s0;
	s0 =	simm.s32 @!p2 $0x0  }
0x16: {  	s3 =	sld [smem:$0x3FDB];
	s0 =	simm.s32 @p2 $0x1  }
0x17: {  	s4 =	simm.s32 $0x1BF5;
	[smem:$0x3FBC] =	sst s0  }
0x18: {  	s0 =	sld [smem:$0x3F9F];
	_ =	swait.ge [sflag:s4], $0x0  }
0x19: {  	s7 =	sld [smem:$0x3FA0]  }
0x1a: {  	s8 =	sadd.s32 $0xFFFFE003, lr  }
0x1b: {  	s9 =	sadd.s32 $0xFFFFFEF7, lr;
	s5 =	simm.s32 $0xFFFFFFFF;
	p2 =	slt.u32 s8, $0xFFFFF086  }
0x1c: {  	p1 =	slt.u32 s9, $0xF7A;
	s5 =	simm.s32 @!p2 $0x0  }
0x1d: {  	s5 =	simm.s32 @p1 $0x1;
	p0 =	seq.s32 s7, s2  }
0x1e: {  	s7 =	smul.u32 @!p0 $0xF7A, s2;
	p2 =	seq.s32 @!p0 s5, $0x0  }
0x1f: {  	s9 =	smul.u32 $0xF7A, s1;
	s8 =	simm.s32 @!p0 $0x1BF5;
	p2 =	por !p2, p0  }
0x20: {  	[sflag:s8] =	ssyncset.s32 @!p0 $0xFFFFF086;
	s6 =	sadd.s32 @!p0 s3, s7;
	s7 =	simm.s32 @!p0 $0x108  }
0x21: {  	s3 =	sadd.s32 s3, s9;
	s6 =	sadd.s32 @!p0 $0x88, s6;
	s7 =	simm.s32 @p2 $0x1082  }
0x22: {  	[simem:s7], [sflag:s8] =	dma.local @!p0 [hbm:s6], $0xF7A  }
0x23: {  	s9 =	sor.u32 $0xD0000000, s2;
	s6 =	simm.s32 $0x108;
	_ =	swait.ge @!p0 [sflag:s8], $0x0  }
0x24: {  	s3 =	sadd.s32 $0x88, s3;
	s6 =	simm.s32 @!p1 $0x1082;
	[sflag:s4] =	ssyncset.s32 $0xFFFFF086  }
0x25: {  	[simem:s6], [sflag:s4] =	dma.local [hbm:s3], $0xF7A  }
0x26: {  	[smem:$0x3FA0] =	sst s1;
	(tag) =	ssettag s2;
	_ =	strace s9  }
0x27: {  	s1 =	sld [smem:$0x3FB0]  }
0x28: {  	s2 =	sld [smem:$0x3FB1]  }
0x29: {  	s4 =	sld [smem:$0x3FB3]  }
0x2a: {  	p0 =	seq.s32 s5, $0x0;
	s5 =	sld [smem:$0x3FB4]  }
0x2b: {  	s6 =	sld [smem:$0x3FB5]  }
0x2c: {  	s7 =	sld [smem:$0x3FB6]  }
0x2d: {  	s3 =	simm.s32 $0x108;
	s8 =	sld [smem:$0x3FB7]  }
0x2e: {  	s3 =	simm.s32 @!p0 $0x1082;
	s9 =	sld [smem:$0x3FB8]  }
0x2f: {  	lr =	sadd.s32 s0, s3;
	s0 =	sld [smem:$0x3FAF]  }
0x30: {  	s3 =	sld [smem:$0x3FB2]  }
0x31: {  	[smem:$0x3FBB] =	sst s10  }
0x32: {  	s10 =	sld [smem:$0x3FB9];
	_ =	sdelay $0x3  }
0x33: {  	p0 =	seq.s32 s10, $0x1;
	s10 =	sld [smem:$0x3FBB];
	_ =	sdelay $0x3  }
0x34: {  	[smem:$0x3FBB] =	sst s10  }
0x35: {  	s10 =	sld [smem:$0x3FBA];
	_ =	sdelay $0x3  }
0x36: {  	p1 =	seq.s32 s10, $0x1;
	s10 =	sld [smem:$0x3FBB];
	_ =	sdelay $0x3  }
0x37: {  	[smem:$0x3FBB] =	sst s10  }
0x38: {  	s10 =	sld [smem:$0x3FBC]  }
0x39: {  	_ = 	snop;
	(pc) =	sbr.ind lr, $3  }
0x3a: {  	_ = 	snop  }
0x3b: {  	_ = 	snop  }
0x3c: {  	p2 =	seq.s32 s10, $0x1;
	s10 =	sld [smem:$0x3FBB]  }
0x3d: {  	_ =	shalt  }
0x3e: {  	_ =	shalt  }
0x3f: {  	_ =	shalt  }
0x40: {  	_ =	shalt  }
0x41: {  	_ =	shalt  }
0x42: {  	_ =	shalt  }
0x43: {  	_ =	shalt  }
0x44: {  	_ =	shalt  }
0x45: {  	_ =	shalt  }
0x46: {  	_ =	shalt  }
0x47: {  	_ =	shalt  }
0x48: {  	_ =	shalt  }
0x49: {  	_ =	shalt  }
0x4a: {  	_ =	shalt  }
0x4b: {  	_ =	shalt  }
0x4c: {  	_ =	shalt  }
0x4d: {  	_ =	shalt  }
0x4e: {  	_ =	shalt  }
0x4f: {  	_ =	shalt  }
0x50: {  	_ =	shalt  }
0x51: {  	_ =	shalt  }
0x52: {  	_ =	shalt  }
0x53: {  	_ =	shalt  }
0x54: {  	_ =	shalt  }
0x55: {  	_ =	shalt  }
0x56: {  	_ =	shalt  }
0x57: {  	_ =	shalt  }
0x58: {  	_ =	shalt  }
0x59: {  	_ =	shalt  }
0x5a: {  	_ =	shalt  }
0x5b: {  	_ =	shalt  }
0x5c: {  	_ =	shalt  }
0x5d: {  	_ =	shalt  }
0x5e: {  	_ =	shalt  }
0x5f: {  	_ =	shalt  }
0x60: {  	_ =	shalt  }
0x61: {  	_ =	shalt  }
0x62: {  	_ =	shalt  }
0x63: {  	_ =	shalt  }
0x64: {  	_ =	shalt  }
0x65: {  	_ =	shalt  }
0x66: {  	_ =	shalt  }
0x67: {  	_ =	shalt  }
0x68: {  	_ =	shalt  }
0x69: {  	_ =	shalt  }
0x6a: {  	_ =	shalt  }
0x6b: {  	_ =	shalt  }
0x6c: {  	_ =	shalt  }
0x6d: {  	_ =	shalt  }
0x6e: {  	_ =	shalt  }
0x6f: {  	_ =	shalt  }
0x70: {  	_ =	shalt  }
0x71: {  	_ =	shalt  }
0x72: {  	_ =	shalt  }
0x73: {  	_ =	shalt  }
0x74: {  	_ =	shalt  }
0x75: {  	_ =	shalt  }
0x76: {  	_ =	shalt  }
0x77: {  	_ =	shalt  }
0x78: {  	_ =	shalt  }
0x79: {  	_ =	shalt  }
0x7a: {  	_ =	shalt  }
0x7b: {  	_ =	shalt  }
0x7c: {  	_ =	shalt  }
0x7d: {  	_ =	shalt  }
0x7e: {  	_ =	shalt  }
0x7f: {  	_ =	shalt  }
0x80: {  	_ =	shalt  }
0x81: {  	_ =	shalt  }
0x82: {  	_ =	shalt  }
0x83: {  	_ =	shalt  }
0x84: {  	_ =	shalt  }
0x85: {  	_ =	shalt  }
0x86: {  	_ =	shalt  }
0x87: {  	_ =	shalt  }
.Lfunc_end0:
.L_simem_size_0:
called_computation_lowered:
.L_overlay_start_0:
0x88: {  	s2 =	sld [smem:$0x3FD9]  }
0x89: {  	s3 =	sld [smem:$0x3FFE];
	_ =	sdelay $0x1  }
0x8a: {  	s1 =	srdreg.scid  }
0x8b: {  	s0 =	sand.u32 $0x1, s1  }
0x8c: {  	s14 =	sshll.u32 s0, $0xA;
	s2 =	sadd.s32 s3, s2  }
0x8d: {  	s2 =	sadd.s32 s2, s14  }
0x8e: {  	[smem:$0x3FC7] =	sst s2  }
0x8f: {  	_ = 	snop  }
0x90: {  	s2 =	sld [smem:$0x3FD0];
	_ =	sdelay $0x2  }
0x91: {  	s15 =	simm.s32 $0xA;
	s4 =	simm.s32 $0x10  }
0x92: {  	[smem:s4], [sflag:s15] =	dma.local [hbm:s2], $0x1  }
0x93: {  	_ =	swait.eq [sflag:s15], $0x1  }
0x94: {  	[sflag:s15] =	ssyncset.done $0x0  }
0x95: {  	[sflag:s15] =	ssyncadd.s32 $0xFFFFFFFF  }
0x96: {  	s16 =	sld [smem:$0x10];
	(tm) =	ssettm $0x1  }
0x97: {  	s17 =	sld [smem:$0x3FFB];
	_ =	sdelay $0x3  }
0x98: {  	_ =	strace s17  }
0x99: {  	s3 =	sld [smem:$0x3FFC];
	_ =	sdelay $0x3  }
0x9a: {  	_ =	strace s3  }
0x9b: {  	s3 =	sld [smem:$0x3FFD];
	_ =	sdelay $0x3  }
0x9c: {  	_ =	strace s3  }
0x9d: {  	_ =	strace $0x8FFFFFFF  }
0x9e: {  	s18 =	sld [smem:$0x3FDB];
	_ =	sdelay $0x1  }
0x9f: {  	s19 =	simm.s32 $_scs_section_size  }
0xa0: {  	s5 =	simm.s32 $_size__tile_overlayer_lowered;
	s6 =	simm.s32 $_tile_overlayer_lowered  }
0xa1: {  	s22 =	simm.s32 $0x1BFF;
	s21 =	sshll.u32 s6, $0x1;
	s3 =	sadd.s32 s19, s18  }
0xa2: {  	s7 =	simm.s32 $0x0;
	s20 =	sshll.u32 s5, $0x1;
	s5 =	sadd.s32 s21, s3  }
0xa3: {  	[timem:s7], [sflag:s22] =	dma.local [hbm:s5], s20  }
0xa4: {  	_ =	swait.ge [sflag:s22], s20  }
0xa5: {  	s4 =	ssub.s32 $0x0, s20;
	[sflag:s22] =	ssyncset.done $0x0  }
0xa6: {  	[sflag:s22] =	ssyncadd.s32 s4;
	_ =	sdelay $0x1  }
0xa7: {  	s23 =	simm.s32 $0x1B8B  }
0xa8: {  	_ =	swait.ge [sflag:s23], $0x1  }
0xa9: {  	[sflag:s23] =	ssyncset.done $0x0  }
0xaa: {  	s25 =	simm.s32 $0x1B8E;
	s24 =	sld [smem:$0x3FFE];
	[sflag:s23] =	ssyncadd.s32 $0xFFFFFFFF  }
0xab: {  	s26 =	simm.s32 $execute0_lowered;
	[smem:$0x3FD2] =	sst s25  }
0xac: {  	s5 =	sshll.u32 s26, $0x1;
	_ =	strace $0x80000046;
	[dreg:$0x1] =	wrdreg $0xFFFFFFFF  }
0xad: {  	s28 =	simm.s32 $_size_execute0_lowered;
	s3 =	sadd.s32 s3, s5;
	[dreg:$0x0] =	wrdreg $0x0  }
0xae: {  	s5 =	sshll.u32 s28, $0x1;
	[dreg:$0x2] =	wrdreg s3  }
0xaf: {  	[dreg:$0x3] =	wrdreg s5  }
0xb0: {  	[dreg:$0x4] =	wrdreg $0xC0  }
0xb1: {  	_ =	task [dreg:s7], $0x5FFFF  }
0xb2: {  	[dreg:$0x1] =	wrdreg $0xFFFFFFFF  }
0xb3: {  	[dreg:$0x0] =	wrdreg $0x60  }
0xb4: {  	[dreg:$0x2] =	wrdreg s24  }
0xb5: {  	[dreg:$0x3] =	wrdreg s16  }
0xb6: {  	[dreg:$0x4] =	wrdreg $0x9  }
0xb7: {  	_ =	task.clear_ibuf [dreg:s7], $0x5FFFF;
	_ =	strace $0x90000046  }
0xb8: {  	s29 =	simm.s32 $0x9;
	_ =	strace $0x80000048  }
0xb9: {  	_ =	swait.ge [sflag:s29], $0x1  }
0xba: {  	[sflag:s29] =	ssyncadd.s32 $0xFFFFFFFF  }
0xbb: {  	_ =	strace $0x90000048  }
0xbc: {  	_ =	sfence  }
0xbd: {  	s30 =	sld [smem:$0x0];
	_ =	sdelay $0x2  }
0xbe: {  	s31 =	sshll.u32 s1, $0xD;
	s1 =	sshrl.u32 s1, $0x2  }
0xbf: {  	s3 =	sand.u32 $0x4000, s31;
	s1 =	sadd.s32 s1, s30  }
0xc0: {  	s0 =	sor.u32 s3, s0;
	s1 =	sshll.u32 s1, $0x11  }
0xc1: {  	s0 =	sor.u32 s1, s0  }
0xc2: {  	s0 =	sadd.s32 $0x8F2B, s0  }
0xc3: {  	[sflag:s0] =	ssyncadd.remote.s32 $0x1  }
0xc4: {  	_ =	sfence.sel $0xFFFF  }
0xc5: {  	[dreg:$0x0] =	wrdreg $0xFFFFFFFF;
	(pc) =	sbr.abs _section_cstart, $3  }
0xc6: {  	[dreg:$0x1] =	wrdreg $0xFFFFFFFF  }
0xc7: {  	_ =	task.clear_ibuf [dreg:s7], $0x2FFFF;
	_ =	strace $0x9FFFFFFF  }
0xc8: {  	(tm) =	ssettm $0x7FFFFFFF  }
0xc9: {  	_ =	shalt  }
tec
execute0_lowered:
.L_overlay_start_1:
0x0: {  	(tag) =	ssettag $0x1  }
0x1: {  	s4 =	rddreg [dreg:$0x0]  }
0x2: {  	s6 =	rddreg [dreg:$0x1]  }
0x3: {  	s0 =	rddreg [dreg:$0x2];
	s2 =	simm.s32 $0x0;
	s3 =	srdreg.scid  }
0x4: {  	s1 =	stileid.u32;
	s11 =	simm.s32 $0x10200;
	s12 =	simm.s32 $0x10600  }
0x5: {  	s13 =	simm.s32 $0x1;
	s14 =	simm.s32 $0x10800;
	s15 =	simm.s32 $0x0  }
0x6: {  	[smem:$0x7FF] =	sst s2;
	s7 =	sand.u32 $0x1, s3;
	s29 =	sshll.u32 s1, $0x1  }
0x7: {  	s3 =	sadd.s32 $0x1000, s4;
	s30 =	sshll.u32 s1, $0xA;
	_ =	strace $0x80000047  }
0x8: {  	s5 =	sor.u32 s7, s29;
	s9 =	ssub.s32 $0x2, s7;
	s31 =	sshll.u32 s7, $0x9  }
0x9: {  	s8 =	sshll.u32 s5, $0x6;
	s10 =	sshrl.u32 s9, $0x1;
	s5 =	sshll.u32 s5, $0xD  }
0xa: {  	s4 =	sadd.s32 s8, s4;
	s9 =	ssub.s32 s9, s10;
	s5 =	sadd.s32 s3, s5  }
0xb: {  	v0 =	vlaneseq.u32;
	v1 =	vimm.s32 $0x1;
	s6 =	sadd.s32 s6, s8;
	s8 =	sor.u32 s31, s30;
	s10 =	simm.s32 $0x200  }
0xc: {  	v2 =	vimm.s32 $0x40;
	v3 =	vimm.s32 $0x0;
	v0 =	vmul.u32 $0x80, v0;
	s4 =	sadd.s32 $0x800, s4;
	s7 =	smax.u32 s9, $0x1;
	s9 =	simm.s32 $0x2  }
.LBB2_1:
0xd: {  	s16 =	simm.s32 $0x10000  }
0xe: {  	[tilespmem:s16], [sflag:$0x2] =	stream.linear.gather [hbm4b:s4+s2], $0x200, $0x38;
	[tilespmem:$0x10A00] =	vst v63  }
0xf: {  	_ =	swait.ge [sflag:s9], $0x200  }
0x10: {  	[sflag:s9] =	ssyncset.done $0x0  }
0x11: {  	[sflag:s9] =	ssyncadd.s32 $0xFFFFFE00  }
0x12: {  	[tilespmem:s2], [sflag:$0x2] =	stream.linear.gather [hbm4b:s5+s2], $0x10000, $0x38;
	[tilespmem:$0x10A00] =	vst v63  }
0x13: {  	_ =	swait.ge [sflag:s9], $0x10000  }
0x14: {  	s17 =	simm.s32 $0x10400;
	[sflag:s9] =	ssyncset.done $0x0  }
0x15: {  	s18 =	simm.s32 $0x10200;
	s19 =	simm.s32 $0x0;
	[sflag:s9] =	ssyncadd.s32 $0xFFFF0000  }
.LBB2_2:
0x16: {  	v4 =	vmov s19  }
0x17: {  	v4 =	vshll.u32 v4, $0x7  }
0x18: {  	v4 =	vor.u32 v0, v4  }
0x19: {  	v5 =	vor.u32 $0x7F, v4;
	_ =	sdelay $0x4  }
0x1a: {  	v5 =	vld.idx.msk [tilespmem:v5+s2+$0x0], $0xffff;
	_ =	sdelay $0x4  }
0x1b: {  	v6 =	vshrl.u32 v5, $0x6  }
0x1c: {  	v8 =	vld [tilespmem:s16+$0x0];
	v7 =	vshrl.u32 v5, $0xA;
	v5 =	vshrl.u32 v5, $0x9;
	v6 =	vand.u32 $0x7, v6  }
0x1d: {  	v59 =	vor.u32 $0x40, v4;
	v5 =	vand.u32 $0x1, v5;
	v6 =	vadd.s32 v7, v6  }
0x1e: {  	v5 =	vadd.s32 v5, v6  }
0x1f: {  	v6 =	vcvt.s32.f32 v5;
	_ =	sdelay $0x1  }
0x20: {  	v6 =	vmul.f32 v6, v8  }
0x21: {  	v7 =	vld.idx.msk [tilespmem:v59+s2+$0x0], $0xffff  }
0x22: {  	v6 =	vtrunc.f32 v6  }
0x23: {  	v60 =	vmax.u32 v5, $0x1;
	v6 =	vcvt.f32.s32 v6  }
0x24: {  	v8 =	vsub.s32 v60, v1  }
0x25: {  	vm0 =	vlt.s32 v6, v8  }
0x26: {  	v7 =	vshrl.u32 v7, $0xA;
	v6 =	vsel vm0, v6, v8  }
0x27: {  	vm0 =	vgt.s32 v7, v6  }
0x28: {  	v61 =	vsel vm0, $0x0, v2  }
0x29: {  	v9 =	vor.u32 $0x20, v61  }
0x2a: {  	v10 =	vor.u32 v4, v9;
	_ =	sdelay $0x4  }
0x2b: {  	v10 =	vld.idx.msk [tilespmem:v10+s2+$0x0], $0xffff;
	_ =	sdelay $0x4  }
0x2c: {  	v10 =	vshrl.u32 v10, $0xA  }
0x2d: {  	vm1 =	vgt.s32 v10, v6  }
0x2e: {  	v8 =	vsel vm1, v61, v9  }
0x2f: {  	v9 =	vor.u32 $0x10, v8  }
0x30: {  	v11 =	vor.u32 v4, v9;
	_ =	sdelay $0x4  }
0x31: {  	v11 =	vld.idx.msk [tilespmem:v11+s2+$0x0], $0xffff;
	_ =	sdelay $0x4  }
0x32: {  	v11 =	vshrl.u32 v11, $0xA  }
0x33: {  	vm2 =	vgt.s32 v11, v6  }
0x34: {  	v8 =	vsel vm2, v8, v9  }
0x35: {  	v9 =	vor.u32 $0x8, v8  }
0x36: {  	v12 =	vor.u32 v4, v9;
	_ =	sdelay $0x4  }
0x37: {  	v12 =	vld.idx.msk [tilespmem:v12+s2+$0x0], $0xffff;
	_ =	sdelay $0x4  }
0x38: {  	v12 =	vshrl.u32 v12, $0xA  }
0x39: {  	vm3 =	vgt.s32 v12, v6  }
0x3a: {  	v8 =	vsel vm3, v8, v9  }
0x3b: {  	v9 =	vadd.s32 $0x4, v8  }
0x3c: {  	v13 =	vadd.s32 v4, v9;
	_ =	sdelay $0x4  }
0x3d: {  	v13 =	vld.idx.msk [tilespmem:v13+s2+$0x0], $0xffff;
	_ =	sdelay $0x4  }
0x3e: {  	v13 =	vshrl.u32 v13, $0xA  }
0x3f: {  	vm4 =	vgt.s32 v13, v6  }
0x40: {  	v8 =	vsel vm4, v8, v9  }
0x41: {  	v9 =	vadd.s32 $0x2, v8  }
0x42: {  	v14 =	vadd.s32 v4, v9;
	_ =	sdelay $0x4  }
0x43: {  	v14 =	vld.idx.msk [tilespmem:v14+s2+$0x0], $0xffff;
	_ =	sdelay $0x4  }
0x44: {  	v14 =	vshrl.u32 v14, $0xA  }
0x45: {  	vm5 =	vgt.s32 v14, v6  }
0x46: {  	v8 =	vsel vm5, v8, v9  }
0x47: {  	v9 =	vadd.s32 $0x1, v8  }
0x48: {  	v4 =	vadd.s32 v4, v9;
	_ =	sdelay $0x4  }
0x49: {  	v4 =	vld.idx.msk [tilespmem:v4+s2+$0x0], $0xffff;
	_ =	sdelay $0x1  }
0x4a: {  	v7 =	vsel vm0, $0x0, v7  }
0x4b: {  	v7 =	vsel vm1, v7, v10  }
0x4c: {  	s20 =	sadd.s32 s19, s8;
	v7 =	vsel vm2, v7, v11  }
0x4d: {  	v62 =	vmov s20;
	v7 =	vsel vm3, v7, v12;
	v4 =	vshrl.u32 v4, $0xA  }
0x4e: {  	p0 =	sne.s32 s19, $0x1F0;
	vm15 =	veq.s32 v5, $0x0;
	v7 =	vsel vm4, v7, v13;
	vm14 =	vgt.s32 v4, v6  }
.Ltmp0:
0x4f: {  	v5 =	vshll.u32 v62, $0x7;
	v7 =	vsel vm5, v7, v14;
	v8 =	vsel vm14, v8, v9;
	(pc) =	sbr.rel @p0 .LBB2_2-.Ltmp0, $4  }
0x50: {  	v5 =	vor.u32 v0, v5;
	v4 =	vsel vm14, v7, v4;
	v63 =	vsel vm15, $0x0, v8  }
0x51: {  	v4 =	vsub.s32 v6, v4;
	v5 =	vadd.s32 v5, v63  }
0x52: {  	s16 =	sadd.s32 $0x10, s16;
	v4 =	vsel vm15, $0xFFFFFFFF, v4;
	[tilespmem:s18+$0x0] =	vst v5  }
0x53: {  	s19 =	sadd.s32 $0x10, s19;
	s18 =	sadd.s32 $0x10, s18;
	[tilespmem:s17+$0x0] =	vst v4;
	s17 =	sadd.s32 $0x10, s17  }
0x54: {  	[tilespmem:s12], [sflag:$0x1] =	stream.indirect.gather [hbm4b:s3+s10], $0x1, s11, s10, $0xb8;
	[tilespmem:$0x10A00] =	vst v63  }
0x55: {  	_ =	swait.ge [sflag:s13], $0x200  }
0x56: {  	[sflag:s13] =	ssyncset.done $0x0  }
0x57: {  	s16 =	simm.s32 $0x0;
	[sflag:s13] =	ssyncadd.s32 $0xFFFFFE00  }
0x58: {  	v4 =	vld [tilespmem:s16+$0x10600]  }
0x59: {  	v5 =	vld [tilespmem:s16+$0x10200]  }
0x5a: {  	v6 =	vld [tilespmem:s16+$0x10400];
	_ =	sdelay $0x2  }
0x5b: {  	s17 =	simm.s32 $0x10;
	v7 =	vshrl.u32 v4, $0x3;
	v8 =	vand.u32 $0x7, v4;
	v4 =	vshrl.u32 v4, $0x6  }
0x5c: {  	v5 =	vshll.u32 v5, $0x2;
	v7 =	vand.u32 $0x7, v7;
	v9 =	vand.u32 $0x7, v4;
	v4 =	vld [tilespmem:s17+$0x10600]  }
0x5d: {  	vm1 =	vle.s32 v8, v6;
	v8 =	vand.u32 $0x1FC, v5;
	v5 =	vld [tilespmem:s17+$0x10200];
	vm0 =	vle.s32 v7, v6  }
0x5e: {  	vm15 =	vle.s32 v9, v6;
	v6 =	vld [tilespmem:s17+$0x10400];
	v7 =	vsel vm0, $0x1, v3  }
0x5f: {  	v10 =	vsel vm1, $0x1, v3;
	v8 =	vor.u32 v7, v8  }
0x60: {  	s18 =	simm.s32 $0x80;
	v7 =	vsel vm15, $0x1, v3;
	v8 =	vadd.s32 v10, v8  }
.LBB2_4:
0x61: {  	s19 =	sshra.s32 s18, $0x2;
	p0 =	sne.s32 s18, $0x7C0;
	s18 =	sadd.s32 $0x40, s18;
	v9 =	vshrl.u32 v4, $0x3;
	v7 =	vadd.s32 v7, v8  }
.Ltmp1:
0x62: {  	v8 =	vand.u32 $0x7, v4;
	v11 =	vshrl.u32 v4, $0x6;
	v9 =	vand.u32 $0x7, v9;
	v4 =	vld [tilespmem:s19+$0x10600];
	[tilespmem:s16+$0x10800] =	vst v7;
	s16 =	smov.u32 s17;
	s17 =	smov.u32 s19;
	(pc) =	sbr.rel @p0 .LBB2_4-.Ltmp1, $4  }
0x63: {  	v7 =	vand.u32 $0x7, v11;
	vm0 =	vle.s32 v9, v6;
	v9 =	vshll.u32 v5, $0x2;
	v5 =	vld [tilespmem:s17+$0x10200];
	v10 =	vmovc v6  }
0x64: {  	v6 =	vld [tilespmem:s17+$0x10400];
	vm1 =	vle.s32 v8, v10;
	v8 =	vsel vm0, $0x1, v3;
	v9 =	vand.u32 $0x1FC, v9  }
0x65: {  	vm0 =	vle.s32 v7, v10;
	v11 =	vsel vm1, $0x1, v3;
	v8 =	vor.u32 v8, v9  }
0x66: {  	v7 =	vsel vm0, $0x1, v3;
	v8 =	vadd.s32 v11, v8  }
0x67: {  	v9 =	vshrl.u32 v4, $0x3  }
0x68: {  	v61 =	vshrl.u32 v4, $0x6;
	v4 =	vand.u32 $0x7, v4;
	v9 =	vand.u32 $0x7, v9  }
0x69: {  	v5 =	vshll.u32 v5, $0x2;
	vm0 =	vle.s32 v9, v6;
	v9 =	vand.u32 $0x7, v61  }
0x6a: {  	vm1 =	vle.s32 v4, v6;
	v5 =	vand.u32 $0x1FC, v5;
	v4 =	vsel vm0, $0x1, v3  }
0x6b: {  	vm15 =	vle.s32 v9, v6;
	v62 =	vsel vm1, $0x1, v3;
	v4 =	vor.u32 v4, v5  }
0x6c: {  	s15 =	sadd.s32 $0x1, s15;
	v5 =	vadd.s32 v7, v8;
	v63 =	vsel vm15, $0x1, v3;
	v4 =	vadd.s32 v62, v4  }
0x6d: {  	p0 =	sne.s32 s15, s7;
	[tilespmem:s16+$0x10800] =	vst v5;
	v4 =	vadd.s32 v63, v4  }
.Ltmp2:
0x6e: {  	[tilespmem:s17+$0x10800] =	vst v4;
	(pc) =	sbr.rel @p0 .LBB2_1-.Ltmp2, $4  }
0x6f: {  	[hbm4b:s6+s2] =	stream.linear.scatter [tilespmem:s14], [sflag:$0x2], $0x200, $0x38;
	[tilespmem:$0x10A00] =	vst v63  }
0x70: {  	_ =	swait.ge [sflag:s9], $0x200  }
0x71: {  	[sflag:s9] =	ssyncset.done $0x0  }
0x72: {  	[sflag:s9] =	ssyncadd.s32 $0xFFFFFE00  }
0x73: {  	_ =	sfence.sel $0x180000  }
0x74: {  	[bflag:$0x0] =	sbarrier.arrive $0xFFFF  }
0x75: {  	p0 =	sne.s32 s1, $0x0;
	_ =	strace $0x90000047  }
0x76: {  	s0 =	sadd.s32 @!p0 $0x100000, s0;
	[bflag:$0x2] =	sbarrier.arrive $0xFFFF  }
0x77: {  	[sflag:s0] =	ssyncadd.tile.s32 @!p0 $0x1;
	_ =	shalt  }
.Lfunc_end2:
_tile_overlayer_lowered:
.L_overlay_start_2:
0x78: {  	(tag) =	ssettag $0x2  }
0x79: {  	s0 =	rddreg [dreg:$0x0];
	s2 =	stileid.u32  }
0x7a: {  	s1 =	rddreg [dreg:$0x1];
	p0 =	sne.s32 s2, $0x0  }
0x7b: {  	s3 =	rddreg [dreg:$0x2];
	[bflag:$0x3] =	sbarrier.arrive $0xFFFF;
	s2 =	simm.s32 @!p0 $0x1C02  }
0x7c: {  	[timem:s3], [sflag:s2] =	dma.local @!p0 [hbm:s0], s1  }
0x7d: {  	s0 =	simm.s32 @!p0 $0x2  }
0x7e: {  	_ =	swait.ge @!p0 [sflag:s0], s1  }
0x7f: {  	s1 =	ssub.s32 @!p0 $0x0, s1;
	[sflag:s0] =	ssyncset.done @!p0 $0x0  }
0x80: {  	[sflag:s0] =	ssyncadd.s32 @!p0 s1  }
0x81: {  	[bflag:$0x3] =	sbarrier.arrive $0xFFFF  }
0x82: {  	_ =	shalt  }

</sc_bundles>
